<compile_context>
chip_gen: v7x
topology: tpu7x:2x2x1
jax: 0.10.2.dev20260603
libtpu: 0.0.44.dev20260713+nightly
codegen_flags: <defaults>
</compile_context>

<pallas_src>
import functools

import jax
import jax.numpy as jnp
from jax import lax
from jax.experimental import pallas as pl
from jax.experimental.pallas import tpu as pltpu
from jax.experimental.pallas import tpu_sc as plsc

BATCH = 4096
NW = 32
LANES = 16
CHUNK = 8


def kernel(x, pos_table):
    batch, maxlen, dim = x.shape
    rows = maxlen * dim
    rows_per_w = rows // NW
    xt = jnp.transpose(x, (1, 2, 0)).reshape(rows, batch)
    pos_b = jnp.broadcast_to(pos_table.reshape(rows, 1), (rows, LANES))

    mesh = plsc.VectorSubcoreMesh(core_axis_name="c", subcore_axis_name="s")

    @functools.partial(
        pl.kernel,
        mesh=mesh,
        out_type=jax.ShapeDtypeStruct((rows, batch), jnp.float32),
        scratch_types=[
            pltpu.VMEM((CHUNK, LANES), jnp.float32),
            pltpu.VMEM((CHUNK, BATCH), jnp.float32),
            pltpu.SemaphoreType.DMA,
        ],
    )
    def sc_add(x_hbm, posb_hbm, out_hbm, posb_v, buf_v, sem):
        wid = lax.axis_index("s") * 2 + lax.axis_index("c")
        base = wid * rows_per_w

        def chunk_body(cj, _):
            r0 = base + cj * CHUNK
            pltpu.sync_copy(posb_hbm.at[pl.ds(r0, CHUNK)], posb_v)
            pltpu.async_copy(x_hbm.at[pl.ds(r0, CHUNK)], buf_v, sem).wait()

            def row_body(j, _):
                pos16 = posb_v[j, :]

                def vec_body(k, _):
                    sl = pl.ds(k * LANES, LANES)
                    buf_v[j, sl] = buf_v[j, sl] + pos16
                    return 0

                return lax.fori_loop(0, BATCH // LANES, vec_body, 0)

            lax.fori_loop(0, CHUNK, row_body, 0)
            pltpu.async_copy(buf_v, out_hbm.at[pl.ds(r0, CHUNK)], sem).wait()
            return 0

        lax.fori_loop(0, rows_per_w // CHUNK, chunk_body, 0)

    out = sc_add(xt, pos_b)
    return out.reshape(maxlen, dim, batch).transpose(2, 0, 1)

# --- scband reference (transcript-rebuilt; emitter-appended) ---
"""Pipeline reference for scband-token-and-position-embedding-9509057593797 (READ-ONLY COPY).

The authoritative reference and input builder live on the scoring server;
editing this copy changes nothing except your own understanding.
"""

import jax, jax.numpy as jnp
import numpy as np

MAXLEN = 200
EMBED_DIM = 64
BATCH = 4096

def setup_inputs(seed: int = 0) -> dict:
    key = jax.random.key(seed)
    k1, k2 = jax.random.split(key)
    x = jax.random.normal(k1, (BATCH, MAXLEN, EMBED_DIM), dtype=jnp.float32)
    # learned position embedding table sized per init_kwargs (maxlen, embed_dim)
    pos_table = jax.random.normal(k2, (MAXLEN, EMBED_DIM), dtype=jnp.float32) * 0.05
    return {"x": x, "pos_table": pos_table}

def reference(x, pos_table):
    # memory_model == 'lstm' path: no token embedding; positions = range(0, maxlen)
    positions = jnp.arange(0, MAXLEN)
    pos = jnp.take(pos_table, positions, axis=0)  # embedding lookup gather
    return x + pos

if __name__ == "__main__":
    import jax
    _d = setup_inputs()
    print(jax.jit(kernel)(*tuple(_d.values())))

</pallas_src>

<mosaic_0001>
#map = affine_map<(d0, d1) -> (0, 0)>
module attributes {stable_mosaic.version = 14 : i64} {
  func.func @sc_add(%arg0: i32, %arg1: i32, %arg2: memref<12800x4096xf32, #tpu.memory_space<hbm>>, %arg3: memref<12800x16xf32, #tpu.memory_space<hbm>>, %arg4: memref<12800x4096xf32, #tpu.memory_space<hbm>>, %arg5: memref<8x16xf32, #tpu.memory_space<vmem>>, %arg6: memref<8x4096xf32, #tpu.memory_space<vmem>>, %arg7: memref<!tpu.dma_semaphore, #tpu.memory_space<semaphore_mem>>) attributes {dimension_semantics = [#tpu.dimension_semantics<core_parallel>, #tpu.dimension_semantics<subcore_parallel>], iteration_bounds = array<i64: 2, 16>, scalar_prefetch = 0 : i64, scratch_operands = 3 : i64, tpu.core_type = #tpu.core_type<sc_vector_subcore>, window_params = [{transform_indices = #map}, {transform_indices = #map}, {transform_indices = #map}]} {
    %mul3A = arith.constant 2 : i32
    %mul3A_0 = arith.muli %arg1, %mul3A : i32
    %add3A = arith.addi %mul3A_0, %arg0 : i32
    %mul3A_1 = arith.constant 400 : i32
    %mul3A_2 = arith.muli %add3A, %mul3A_1 : i32
    %scan3A = arith.constant 0 : i32
    %scan3A_3 = arith.constant 0 : i32
    %scan3A_4 = arith.constant 50 : i32
    %scan3A_5 = arith.addi %scan3A_3, %scan3A_4 : i32
    %scan3A_6 = arith.constant 1 : i32
    %scan3A_7 = scf.for %scan3A_9 = %scan3A_3 to %scan3A_5 step %scan3A_6 iter_args(%scan3A_10 = %scan3A) -> (i32)  : i32 {
      %mul3A_11 = arith.constant 8 : i32
      %mul3A_12 = arith.muli %scan3A_9, %mul3A_11 : i32
      %add3A_13 = arith.addi %mul3A_2, %mul3A_12 : i32
      "tpu.region"() ({
        %run_scoped3A = tpu.sem_alloc : memref<!tpu.dma_semaphore, #tpu.memory_space<semaphore_mem>>
        %dma_start3A_36 = arith.constant 0 : i32
        %dma_start3A_37 = tpu.memref_slice %arg3[%add3A_13, %dma_start3A_36] : memref<12800x16xf32, #tpu.memory_space<hbm>> -> memref<8x16xf32, #tpu.memory_space<hbm>>
        %dma_start3A_38 = arith.constant 0 : i32
        %dma_start3A_39 = tpu.memref_slice %arg3[%add3A_13, %dma_start3A_38] : memref<12800x16xf32, #tpu.memory_space<hbm>> -> memref<8x16xf32, #tpu.memory_space<hbm>>
        tpu.enqueue_dma source(%dma_start3A_39 : memref<8x16xf32, #tpu.memory_space<hbm>>) target(%arg5 : memref<8x16xf32, #tpu.memory_space<vmem>>) target_semaphore(%run_scoped3A : memref<!tpu.dma_semaphore, #tpu.memory_space<semaphore_mem>>)
        %dma_wait3A_40 = arith.constant 0 : i32
        %dma_wait3A_41 = tpu.memref_slice %arg3[%add3A_13, %dma_wait3A_40] : memref<12800x16xf32, #tpu.memory_space<hbm>> -> memref<8x16xf32, #tpu.memory_space<hbm>>
        %dma_wait3A_42 = arith.constant 0 : i32
        %dma_wait3A_43 = tpu.memref_slice %arg3[%add3A_13, %dma_wait3A_42] : memref<12800x16xf32, #tpu.memory_space<hbm>> -> memref<8x16xf32, #tpu.memory_space<hbm>>
        tpu.wait_dma2 semaphore(%run_scoped3A : memref<!tpu.dma_semaphore, #tpu.memory_space<semaphore_mem>>) src(%dma_wait3A_43 : memref<8x16xf32, #tpu.memory_space<hbm>>) dst(%arg5 : memref<8x16xf32, #tpu.memory_space<vmem>>)
        tpu.yield
      }) : () -> ()
      %dma_start3A = arith.constant 0 : i32
      %dma_start3A_14 = tpu.memref_slice %arg2[%add3A_13, %dma_start3A] : memref<12800x4096xf32, #tpu.memory_space<hbm>> -> memref<8x4096xf32, #tpu.memory_space<hbm>>
      %dma_start3A_15 = arith.constant 0 : i32
      %dma_start3A_16 = tpu.memref_slice %arg2[%add3A_13, %dma_start3A_15] : memref<12800x4096xf32, #tpu.memory_space<hbm>> -> memref<8x4096xf32, #tpu.memory_space<hbm>>
      tpu.enqueue_dma source(%dma_start3A_16 : memref<8x4096xf32, #tpu.memory_space<hbm>>) target(%arg6 : memref<8x4096xf32, #tpu.memory_space<vmem>>) target_semaphore(%arg7 : memref<!tpu.dma_semaphore, #tpu.memory_space<semaphore_mem>>)
      %dma_wait3A = arith.constant 0 : i32
      %dma_wait3A_17 = tpu.memref_slice %arg2[%add3A_13, %dma_wait3A] : memref<12800x4096xf32, #tpu.memory_space<hbm>> -> memref<8x4096xf32, #tpu.memory_space<hbm>>
      %dma_wait3A_18 = arith.constant 0 : i32
      %dma_wait3A_19 = tpu.memref_slice %arg2[%add3A_13, %dma_wait3A_18] : memref<12800x4096xf32, #tpu.memory_space<hbm>> -> memref<8x4096xf32, #tpu.memory_space<hbm>>
      tpu.wait_dma2 semaphore(%arg7 : memref<!tpu.dma_semaphore, #tpu.memory_space<semaphore_mem>>) src(%dma_wait3A_19 : memref<8x4096xf32, #tpu.memory_space<hbm>>) dst(%arg6 : memref<8x4096xf32, #tpu.memory_space<vmem>>)
      %scan3A_20 = arith.constant 0 : i32
      %scan3A_21 = arith.constant 0 : i32
      %scan3A_22 = arith.constant 8 : i32
      %scan3A_23 = arith.addi %scan3A_21, %scan3A_22 : i32
      %scan3A_24 = arith.constant 1 : i32
      %scan3A_25 = scf.for %scan3A_36 = %scan3A_21 to %scan3A_23 step %scan3A_24 iter_args(%scan3A_37 = %scan3A_20) -> (i32)  : i32 {
        %get3A = arith.index_cast %scan3A_36 : i32 to index
        %get3A_38 = arith.constant 0 : index
        %get3A_39 = tpu.vector_load %arg5[%get3A, %get3A_38] {strides = array<i32>} : memref<8x16xf32, #tpu.memory_space<vmem>>, vector<1x16xf32>,
        %get3A_40 = vector.shape_cast %get3A_39 : vector<1x16xf32> to vector<16xf32>
        %scan3A_41 = arith.constant 0 : i32
        %scan3A_42 = arith.constant 0 : i32
        %scan3A_43 = arith.constant 256 : i32
        %scan3A_44 = arith.addi %scan3A_42, %scan3A_43 : i32
        %scan3A_45 = arith.constant 1 : i32
        %scan3A_46 = scf.for %scan3A_48 = %scan3A_42 to %scan3A_44 step %scan3A_45 iter_args(%scan3A_49 = %scan3A_41) -> (i32)  : i32 {
          %mul3A_50 = arith.constant 16 : i32
          %mul3A_51 = arith.muli %scan3A_48, %mul3A_50 : i32
          %get3A_52 = arith.index_cast %scan3A_36 : i32 to index
          %get3A_53 = arith.index_cast %mul3A_51 : i32 to index
          %get3A_54 = tpu.vector_load %arg6[%get3A_52, %get3A_53] {strides = array<i32>} : memref<8x4096xf32, #tpu.memory_space<vmem>>, vector<1x16xf32>,
          %get3A_55 = vector.shape_cast %get3A_54 : vector<1x16xf32> to vector<16xf32>
          %add3A_56 = arith.addf %get3A_55, %get3A_40 : vector<16xf32>
          %swap3A = arith.index_cast %scan3A_36 : i32 to index
          %swap3A_57 = arith.index_cast %mul3A_51 : i32 to index
          %swap3A_58 = tpu.vector_load %arg6[%swap3A, %swap3A_57] {strides = array<i32>} : memref<8x4096xf32, #tpu.memory_space<vmem>>, vector<1x16xf32>,
          %swap3A_59 = vector.shape_cast %swap3A_58 : vector<1x16xf32> to vector<16xf32>
          %swap3A_60 = vector.shape_cast %add3A_56 : vector<16xf32> to vector<1x16xf32>
          tpu.vector_store %arg6[%swap3A, %swap3A_57], %swap3A_60 {strides = array<i32>} : memref<8x4096xf32, #tpu.memory_space<vmem>>, vector<1x16xf32>,
          %scan3A_61 = arith.constant 0 : i32
          scf.yield %scan3A_61 : i32
        }
        %scan3A_47 = arith.constant 256 : i32
        scf.yield %scan3A_46 : i32
      }
      %scan3A_26 = arith.constant 8 : i32
      %dma_start3A_27 = arith.constant 0 : i32
      %dma_start3A_28 = tpu.memref_slice %arg4[%add3A_13, %dma_start3A_27] : memref<12800x4096xf32, #tpu.memory_space<hbm>> -> memref<8x4096xf32, #tpu.memory_space<hbm>>
      %dma_start3A_29 = arith.constant 0 : i32
      %dma_start3A_30 = tpu.memref_slice %arg4[%add3A_13, %dma_start3A_29] : memref<12800x4096xf32, #tpu.memory_space<hbm>> -> memref<8x4096xf32, #tpu.memory_space<hbm>>
      tpu.enqueue_dma source(%arg6 : memref<8x4096xf32, #tpu.memory_space<vmem>>) target(%dma_start3A_30 : memref<8x4096xf32, #tpu.memory_space<hbm>>) target_semaphore(%arg7 : memref<!tpu.dma_semaphore, #tpu.memory_space<semaphore_mem>>)
      %dma_wait3A_31 = arith.constant 0 : i32
      %dma_wait3A_32 = tpu.memref_slice %arg4[%add3A_13, %dma_wait3A_31] : memref<12800x4096xf32, #tpu.memory_space<hbm>> -> memref<8x4096xf32, #tpu.memory_space<hbm>>
      %dma_wait3A_33 = arith.constant 0 : i32
      %dma_wait3A_34 = tpu.memref_slice %arg4[%add3A_13, %dma_wait3A_33] : memref<12800x4096xf32, #tpu.memory_space<hbm>> -> memref<8x4096xf32, #tpu.memory_space<hbm>>
      tpu.wait_dma2 semaphore(%arg7 : memref<!tpu.dma_semaphore, #tpu.memory_space<semaphore_mem>>) src(%arg6 : memref<8x4096xf32, #tpu.memory_space<vmem>>) dst(%dma_wait3A_34 : memref<8x4096xf32, #tpu.memory_space<hbm>>)
      %scan3A_35 = arith.constant 0 : i32
      scf.yield %scan3A_35 : i32
    }
    %scan3A_8 = arith.constant 50 : i32
    return
  }
}

</mosaic_0001>

<sc_bundles>
// kernel: kernel.3.cloned.1.call-start
scs
__scs_entry_jumppad:
0x0: {  	(pc) =	sbr.rel $0x88, $3  }
0x1: {  	(tag) =	ssettag $0x0;
	lr =	simm.s32 $0x1  }
0x2: {  	[smem:$0x3F9F] =	sst lr;
	_ =	strace $0xD0000000  }
0x3: {  	_ = 	snop  }
0x4: {  	_ = 	snop  }
0x5: {  	_ = 	snop  }
0x6: {  	_ = 	snop  }
0x7: {  	_ = 	snop  }
__scs_overlays_trampoline_lowered:
0x8: {  	[smem:$0x3FAE] =	sst s0  }
0x9: {  	[smem:$0x3FAF] =	sst s1  }
0xa: {  	[smem:$0x3FB0] =	sst s2  }
0xb: {  	[smem:$0x3FB1] =	sst s3  }
0xc: {  	[smem:$0x3FB2] =	sst s4  }
0xd: {  	[smem:$0x3FB3] =	sst s5  }
0xe: {  	[smem:$0x3FB4] =	sst s6  }
0xf: {  	[smem:$0x3FB5] =	sst s7  }
0x10: {  	[smem:$0x3FB6] =	sst s8  }
0x11: {  	[smem:$0x3FB7] =	sst s9;
	s0 =	simm.s32 @!p0 $0x0  }
0x12: {  	s1 =	sld [smem:$0x3F9D];
	s0 =	simm.s32 @p0 $0x1  }
0x13: {  	[smem:$0x3FB8] =	sst s0;
	s0 =	simm.s32 @!p1 $0x0  }
0x14: {  	s2 =	sld [smem:$0x3F9C];
	s0 =	simm.s32 @p1 $0x1  }
0x15: {  	[smem:$0x3FB9] =	sst s0;
	s0 =	simm.s32 @!p2 $0x0  }
0x16: {  	s3 =	sld [smem:$0x3FDB];
	s0 =	simm.s32 @p2 $0x1  }
0x17: {  	s4 =	simm.s32 $0x1BF5;
	[smem:$0x3FBB] =	sst s0  }
0x18: {  	s0 =	sld [smem:$0x3F9E];
	_ =	swait.ge [sflag:s4], $0x0  }
0x19: {  	s7 =	sld [smem:$0x3F9F]  }
0x1a: {  	s8 =	sadd.s32 $0xFFFFE003, lr  }
0x1b: {  	s9 =	sadd.s32 $0xFFFFFEF7, lr;
	s5 =	simm.s32 $0xFFFFFFFF;
	p2 =	slt.u32 s8, $0xFFFFF086  }
0x1c: {  	p1 =	slt.u32 s9, $0xF7A;
	s5 =	simm.s32 @!p2 $0x0  }
0x1d: {  	s5 =	simm.s32 @p1 $0x1;
	p0 =	seq.s32 s7, s2  }
0x1e: {  	s7 =	smul.u32 @!p0 $0xF7A, s2;
	p2 =	seq.s32 @!p0 s5, $0x0  }
0x1f: {  	s9 =	smul.u32 $0xF7A, s1;
	s8 =	simm.s32 @!p0 $0x1BF5;
	p2 =	por !p2, p0  }
0x20: {  	[sflag:s8] =	ssyncset.s32 @!p0 $0xFFFFF086;
	s6 =	sadd.s32 @!p0 s3, s7;
	s7 =	simm.s32 @!p0 $0x108  }
0x21: {  	s3 =	sadd.s32 s3, s9;
	s6 =	sadd.s32 @!p0 $0x88, s6;
	s7 =	simm.s32 @p2 $0x1082  }
0x22: {  	[simem:s7], [sflag:s8] =	dma.local @!p0 [hbm:s6], $0xF7A  }
0x23: {  	s9 =	sor.u32 $0xD0000000, s2;
	s6 =	simm.s32 $0x108;
	_ =	swait.ge @!p0 [sflag:s8], $0x0  }
0x24: {  	s3 =	sadd.s32 $0x88, s3;
	s6 =	simm.s32 @!p1 $0x1082;
	[sflag:s4] =	ssyncset.s32 $0xFFFFF086  }
0x25: {  	[simem:s6], [sflag:s4] =	dma.local [hbm:s3], $0xF7A  }
0x26: {  	[smem:$0x3F9F] =	sst s1;
	(tag) =	ssettag s2;
	_ =	strace s9  }
0x27: {  	s1 =	sld [smem:$0x3FAF]  }
0x28: {  	s2 =	sld [smem:$0x3FB0]  }
0x29: {  	s4 =	sld [smem:$0x3FB2]  }
0x2a: {  	p0 =	seq.s32 s5, $0x0;
	s5 =	sld [smem:$0x3FB3]  }
0x2b: {  	s6 =	sld [smem:$0x3FB4]  }
0x2c: {  	s7 =	sld [smem:$0x3FB5]  }
0x2d: {  	s3 =	simm.s32 $0x108;
	s8 =	sld [smem:$0x3FB6]  }
0x2e: {  	s3 =	simm.s32 @!p0 $0x1082;
	s9 =	sld [smem:$0x3FB7]  }
0x2f: {  	lr =	sadd.s32 s0, s3;
	s0 =	sld [smem:$0x3FAE]  }
0x30: {  	s3 =	sld [smem:$0x3FB1]  }
0x31: {  	[smem:$0x3FBA] =	sst s10  }
0x32: {  	s10 =	sld [smem:$0x3FB8];
	_ =	sdelay $0x3  }
0x33: {  	p0 =	seq.s32 s10, $0x1;
	s10 =	sld [smem:$0x3FBA];
	_ =	sdelay $0x3  }
0x34: {  	[smem:$0x3FBA] =	sst s10  }
0x35: {  	s10 =	sld [smem:$0x3FB9];
	_ =	sdelay $0x3  }
0x36: {  	p1 =	seq.s32 s10, $0x1;
	s10 =	sld [smem:$0x3FBA];
	_ =	sdelay $0x3  }
0x37: {  	[smem:$0x3FBA] =	sst s10  }
0x38: {  	s10 =	sld [smem:$0x3FBB]  }
0x39: {  	_ = 	snop;
	(pc) =	sbr.ind lr, $3  }
0x3a: {  	_ = 	snop  }
0x3b: {  	_ = 	snop  }
0x3c: {  	p2 =	seq.s32 s10, $0x1;
	s10 =	sld [smem:$0x3FBA]  }
0x3d: {  	_ =	shalt  }
0x3e: {  	_ =	shalt  }
0x3f: {  	_ =	shalt  }
0x40: {  	_ =	shalt  }
0x41: {  	_ =	shalt  }
0x42: {  	_ =	shalt  }
0x43: {  	_ =	shalt  }
0x44: {  	_ =	shalt  }
0x45: {  	_ =	shalt  }
0x46: {  	_ =	shalt  }
0x47: {  	_ =	shalt  }
0x48: {  	_ =	shalt  }
0x49: {  	_ =	shalt  }
0x4a: {  	_ =	shalt  }
0x4b: {  	_ =	shalt  }
0x4c: {  	_ =	shalt  }
0x4d: {  	_ =	shalt  }
0x4e: {  	_ =	shalt  }
0x4f: {  	_ =	shalt  }
0x50: {  	_ =	shalt  }
0x51: {  	_ =	shalt  }
0x52: {  	_ =	shalt  }
0x53: {  	_ =	shalt  }
0x54: {  	_ =	shalt  }
0x55: {  	_ =	shalt  }
0x56: {  	_ =	shalt  }
0x57: {  	_ =	shalt  }
0x58: {  	_ =	shalt  }
0x59: {  	_ =	shalt  }
0x5a: {  	_ =	shalt  }
0x5b: {  	_ =	shalt  }
0x5c: {  	_ =	shalt  }
0x5d: {  	_ =	shalt  }
0x5e: {  	_ =	shalt  }
0x5f: {  	_ =	shalt  }
0x60: {  	_ =	shalt  }
0x61: {  	_ =	shalt  }
0x62: {  	_ =	shalt  }
0x63: {  	_ =	shalt  }
0x64: {  	_ =	shalt  }
0x65: {  	_ =	shalt  }
0x66: {  	_ =	shalt  }
0x67: {  	_ =	shalt  }
0x68: {  	_ =	shalt  }
0x69: {  	_ =	shalt  }
0x6a: {  	_ =	shalt  }
0x6b: {  	_ =	shalt  }
0x6c: {  	_ =	shalt  }
0x6d: {  	_ =	shalt  }
0x6e: {  	_ =	shalt  }
0x6f: {  	_ =	shalt  }
0x70: {  	_ =	shalt  }
0x71: {  	_ =	shalt  }
0x72: {  	_ =	shalt  }
0x73: {  	_ =	shalt  }
0x74: {  	_ =	shalt  }
0x75: {  	_ =	shalt  }
0x76: {  	_ =	shalt  }
0x77: {  	_ =	shalt  }
0x78: {  	_ =	shalt  }
0x79: {  	_ =	shalt  }
0x7a: {  	_ =	shalt  }
0x7b: {  	_ =	shalt  }
0x7c: {  	_ =	shalt  }
0x7d: {  	_ =	shalt  }
0x7e: {  	_ =	shalt  }
0x7f: {  	_ =	shalt  }
0x80: {  	_ =	shalt  }
0x81: {  	_ =	shalt  }
0x82: {  	_ =	shalt  }
0x83: {  	_ =	shalt  }
0x84: {  	_ =	shalt  }
0x85: {  	_ =	shalt  }
0x86: {  	_ =	shalt  }
0x87: {  	_ =	shalt  }
.Lfunc_end0:
.L_simem_size_0:
called_computation_lowered:
.L_overlay_start_0:
0x88: {  	s2 =	sld [smem:$0x3FD9]  }
0x89: {  	s3 =	sld [smem:$0x3FFE];
	_ =	sdelay $0x1  }
0x8a: {  	s1 =	srdreg.scid  }
0x8b: {  	s0 =	sand.u32 $0x1, s1  }
0x8c: {  	s17 =	sshll.u32 s0, $0xA;
	s2 =	sadd.s32 s3, s2  }
0x8d: {  	s2 =	sadd.s32 s2, s17  }
0x8e: {  	[smem:$0x3FC6] =	sst s2  }
0x8f: {  	_ = 	snop  }
0x90: {  	s2 =	sld [smem:$0x3FC9]  }
0x91: {  	s18 =	sld [smem:$0x3FD0];
	(tm) =	ssettm $0x1  }
0x92: {  	s4 =	sld [smem:$0x3FFB];
	_ =	sdelay $0x3  }
0x93: {  	_ =	strace s4  }
0x94: {  	s4 =	sld [smem:$0x3FFC];
	_ =	sdelay $0x3  }
0x95: {  	_ =	strace s4  }
0x96: {  	s4 =	sld [smem:$0x3FFD];
	_ =	sdelay $0x3  }
0x97: {  	_ =	strace s4  }
0x98: {  	_ =	strace $0x8FFFFFFF  }
0x99: {  	s19 =	sld [smem:$0x3FDB];
	_ =	sdelay $0x1  }
0x9a: {  	s5 =	simm.s32 $_scs_section_size  }
0x9b: {  	s6 =	simm.s32 $_size__tile_overlayer_lowered;
	s7 =	simm.s32 $_tile_overlayer_lowered  }
0x9c: {  	s22 =	simm.s32 $0x1BFF;
	s21 =	sshll.u32 s7, $0x1;
	s4 =	sadd.s32 s5, s19  }
0x9d: {  	s8 =	simm.s32 $0x0;
	s20 =	sshll.u32 s6, $0x1;
	s6 =	sadd.s32 s21, s4  }
0x9e: {  	[timem:s8], [sflag:s22] =	dma.local [hbm:s6], s20  }
0x9f: {  	_ =	swait.ge [sflag:s22], s20  }
0xa0: {  	s5 =	ssub.s32 $0x0, s20;
	[sflag:s22] =	ssyncset.done $0x0  }
0xa1: {  	[sflag:s22] =	ssyncadd.s32 s5;
	_ =	sdelay $0x1  }
0xa2: {  	s23 =	simm.s32 $0x1B8B  }
0xa3: {  	_ =	swait.ge [sflag:s23], $0x1  }
0xa4: {  	[sflag:s23] =	ssyncset.done $0x0  }
0xa5: {  	s25 =	simm.s32 $0x1B8E;
	s24 =	sld [smem:$0x3FFE];
	[sflag:s23] =	ssyncadd.s32 $0xFFFFFFFF  }
0xa6: {  	s26 =	simm.s32 $execute0_lowered;
	[smem:$0x3FD2] =	sst s25  }
0xa7: {  	s6 =	sshll.u32 s26, $0x1;
	_ =	strace $0x80000046;
	[dreg:$0x1] =	wrdreg $0xFFFFFFFF  }
0xa8: {  	s28 =	simm.s32 $_size_execute0_lowered;
	s4 =	sadd.s32 s4, s6;
	[dreg:$0x0] =	wrdreg $0x0  }
0xa9: {  	s6 =	sshll.u32 s28, $0x1;
	[dreg:$0x2] =	wrdreg s4  }
0xaa: {  	[dreg:$0x3] =	wrdreg s6  }
0xab: {  	[dreg:$0x4] =	wrdreg $0xC0  }
0xac: {  	_ =	task [dreg:s8], $0x5FFFF  }
0xad: {  	[dreg:$0x1] =	wrdreg $0xFFFFFFFF  }
0xae: {  	[dreg:$0x0] =	wrdreg $0x60  }
0xaf: {  	[dreg:$0x2] =	wrdreg s2  }
0xb0: {  	[dreg:$0x3] =	wrdreg s24  }
0xb1: {  	[dreg:$0x4] =	wrdreg s18  }
0xb2: {  	[dreg:$0x5] =	wrdreg $0x9  }
0xb3: {  	_ =	task.clear_ibuf [dreg:s8], $0x6FFFF;
	_ =	strace $0x90000046  }
0xb4: {  	s29 =	simm.s32 $0x9;
	_ =	strace $0x80000048  }
0xb5: {  	_ =	swait.ge [sflag:s29], $0x1  }
0xb6: {  	[sflag:s29] =	ssyncadd.s32 $0xFFFFFFFF  }
0xb7: {  	_ =	strace $0x90000048  }
0xb8: {  	_ =	sfence  }
0xb9: {  	s30 =	sld [smem:$0x0];
	_ =	sdelay $0x2  }
0xba: {  	s31 =	sshll.u32 s1, $0xD;
	s1 =	sshrl.u32 s1, $0x2  }
0xbb: {  	s3 =	sand.u32 $0x4000, s31;
	s1 =	sadd.s32 s1, s30  }
0xbc: {  	s0 =	sor.u32 s3, s0;
	s1 =	sshll.u32 s1, $0x11  }
0xbd: {  	s0 =	sor.u32 s1, s0  }
0xbe: {  	s0 =	sadd.s32 $0x8F2B, s0  }
0xbf: {  	[sflag:s0] =	ssyncadd.remote.s32 $0x1  }
0xc0: {  	_ =	sfence.sel $0xFFFF  }
0xc1: {  	[dreg:$0x0] =	wrdreg $0xFFFFFFFF;
	(pc) =	sbr.abs _section_cstart, $3  }
0xc2: {  	[dreg:$0x1] =	wrdreg $0xFFFFFFFF  }
0xc3: {  	_ =	task.clear_ibuf [dreg:s8], $0x2FFFF;
	_ =	strace $0x9FFFFFFF  }
0xc4: {  	(tm) =	ssettm $0x7FFFFFFF  }
0xc5: {  	_ =	shalt  }
tec
execute0_lowered:
.L_overlay_start_1:
0x0: {  	(tag) =	ssettag $0x1  }
0x1: {  	s1 =	rddreg [dreg:$0x0]  }
0x2: {  	s5 =	rddreg [dreg:$0x1]  }
0x3: {  	s2 =	rddreg [dreg:$0x2];
	s3 =	srdreg.scid  }
0x4: {  	s0 =	rddreg [dreg:$0x3];
	s4 =	simm.s32 $0x0;
	s10 =	simm.s32 $0x1  }
0x5: {  	s11 =	simm.s32 $0x0;
	s6 =	sand.u32 $0x1, s3;
	[smem:$0x7FF] =	sst s4  }
0x6: {  	s3 =	stileid.u32;
	s5 =	sadd.s32 $0x400, s5;
	s7 =	ssub.s32 $0x2, s6  }
0x7: {  	_ =	strace $0x80000047;
	s9 =	sshll.u32 s3, $0x1;
	s8 =	sshrl.u32 s7, $0x1  }
0x8: {  	s6 =	sor.u32 s6, s9;
	s9 =	simm.s32 $0x400;
	s7 =	ssub.s32 s7, s8  }
0x9: {  	s6 =	smul.u32 $0x32, s6;
	s8 =	simm.s32 $0x2;
	s7 =	smax.u32 s7, $0x1  }
.LBB2_1:
0xa: {  	s12 =	simm.s32 $0x0  }
.LBB2_2:
0xb: {  	s13 =	sadd.s32 s6, s12  }
0xc: {  	s14 =	sshll.u32 s13, $0x7  }
0xd: {  	s15 =	simm.s32 $0x0;
	s14 =	sadd.s32 s5, s14  }
0xe: {  	[tilespmem:s15], [sflag:$0x2] =	stream.linear.gather [hbm4b:s14+s15], $0x400, $0x38;
	[tilespmem:$0x8400] =	vst v63  }
0xf: {  	_ =	swait.ge [sflag:s8], $0x400  }
0x10: {  	s13 =	sshll.u32 s13, $0xC;
	[sflag:s8] =	ssyncset.done $0x0  }
0x11: {  	s30 =	sadd.s32 s1, s13;
	[sflag:s8] =	ssyncadd.s32 $0xFFFFFC00  }
0x12: {  	[tilespmem:s9], [sflag:$0x1] =	stream.linear.gather [hbm4b:s30+s15], $0x8000, $0x38;
	[tilespmem:$0x8400] =	vst v63  }
0x13: {  	_ =	swait.ge [sflag:s10], $0x8000  }
0x14: {  	[sflag:s10] =	ssyncset.done $0x0  }
0x15: {  	s31 =	sand.u32 $0x70, s15;
	s15 =	sand.u32 $0x7C00, s15;
	[sflag:s10] =	ssyncadd.s32 $0xFFFF8000  }
0x16: {  	s14 =	sor.u32 s31, s15;
	v0 =	vld [tilespmem:$0x0]  }
0x17: {  	v1 =	vld [tilespmem:s14+$0x400];
	_ =	sdelay $0x4  }
0x18: {  	s16 =	simm.s32 $0x10;
	s15 =	simm.s32 $0x80;
	v1 =	vadd.f32 v1, v0  }
0x19: {  	s17 =	sand.u32 $0x70, s16;
	s16 =	simm.s32 $0x20;
	s18 =	sand.u32 $0x7C00, s15  }
.LBB2_3:
0x1a: {  	p0 =	sne.s32 s16, $0xFF0;
	[tilespmem:s14+$0x400] =	vst v1;
	s14 =	sor.u32 s17, s18  }
0x1b: {  	v1 =	vld [tilespmem:s14+$0x400];
	_ =	sdelay $0x1  }
.Ltmp0:
0x1c: {  	(pc) =	sbr.rel @p0 .LBB2_3-.Ltmp0, $3  }
0x1d: {  	_ =	sdelay $0x1  }
0x1e: {  	s15 =	sadd.s32 $0x80, s15;
	v1 =	vadd.f32 v1, v0  }
0x1f: {  	s17 =	sand.u32 $0x70, s16;
	s16 =	sadd.s32 $0x10, s16;
	s18 =	sand.u32 $0x7C00, s15  }
0x20: {  	s15 =	sor.u32 s17, s18;
	[tilespmem:s14+$0x400] =	vst v1  }
0x21: {  	v1 =	vld [tilespmem:s15+$0x400];
	_ =	sdelay $0x4  }
0x22: {  	v0 =	vadd.f32 v1, v0  }
0x23: {  	s30 =	simm.s32 $0x0  }
0x24: {  	s31 =	sand.u32 $0x70, s30;
	s14 =	sand.u32 $0x7C00, s30;
	[tilespmem:s15+$0x400] =	vst v0  }
0x25: {  	s14 =	sor.u32 s31, s14;
	v0 =	vld [tilespmem:$0x80]  }
0x26: {  	v1 =	vld [tilespmem:s14+$0x480];
	_ =	sdelay $0x4  }
0x27: {  	s16 =	simm.s32 $0x10;
	s15 =	simm.s32 $0x80;
	v1 =	vadd.f32 v1, v0  }
0x28: {  	s17 =	sand.u32 $0x70, s16;
	s16 =	simm.s32 $0x20;
	s18 =	sand.u32 $0x7C00, s15  }
.LBB2_5:
0x29: {  	p0 =	sne.s32 s16, $0xFF0;
	[tilespmem:s14+$0x480] =	vst v1;
	s14 =	sor.u32 s17, s18  }
0x2a: {  	v1 =	vld [tilespmem:s14+$0x480];
	_ =	sdelay $0x1  }
.Ltmp1:
0x2b: {  	(pc) =	sbr.rel @p0 .LBB2_5-.Ltmp1, $3  }
0x2c: {  	_ =	sdelay $0x1  }
0x2d: {  	s15 =	sadd.s32 $0x80, s15;
	v1 =	vadd.f32 v1, v0  }
0x2e: {  	s17 =	sand.u32 $0x70, s16;
	s16 =	sadd.s32 $0x10, s16;
	s18 =	sand.u32 $0x7C00, s15  }
0x2f: {  	s15 =	sor.u32 s17, s18;
	[tilespmem:s14+$0x480] =	vst v1  }
0x30: {  	v1 =	vld [tilespmem:s15+$0x480];
	_ =	sdelay $0x4  }
0x31: {  	v0 =	vadd.f32 v1, v0  }
0x32: {  	s30 =	simm.s32 $0x0  }
0x33: {  	s31 =	sand.u32 $0x70, s30;
	s14 =	sand.u32 $0x7C00, s30;
	[tilespmem:s15+$0x480] =	vst v0  }
0x34: {  	s14 =	sor.u32 s31, s14;
	v0 =	vld [tilespmem:$0x100]  }
0x35: {  	v1 =	vld [tilespmem:s14+$0x500];
	_ =	sdelay $0x4  }
0x36: {  	s16 =	simm.s32 $0x10;
	s15 =	simm.s32 $0x80;
	v1 =	vadd.f32 v1, v0  }
0x37: {  	s17 =	sand.u32 $0x70, s16;
	s16 =	simm.s32 $0x20;
	s18 =	sand.u32 $0x7C00, s15  }
.LBB2_7:
0x38: {  	p0 =	sne.s32 s16, $0xFF0;
	[tilespmem:s14+$0x500] =	vst v1;
	s14 =	sor.u32 s17, s18  }
0x39: {  	v1 =	vld [tilespmem:s14+$0x500];
	_ =	sdelay $0x1  }
.Ltmp2:
0x3a: {  	(pc) =	sbr.rel @p0 .LBB2_7-.Ltmp2, $3  }
0x3b: {  	_ =	sdelay $0x1  }
0x3c: {  	s15 =	sadd.s32 $0x80, s15;
	v1 =	vadd.f32 v1, v0  }
0x3d: {  	s17 =	sand.u32 $0x70, s16;
	s16 =	sadd.s32 $0x10, s16;
	s18 =	sand.u32 $0x7C00, s15  }
0x3e: {  	s15 =	sor.u32 s17, s18;
	[tilespmem:s14+$0x500] =	vst v1  }
0x3f: {  	v1 =	vld [tilespmem:s15+$0x500];
	_ =	sdelay $0x4  }
0x40: {  	v0 =	vadd.f32 v1, v0  }
0x41: {  	s30 =	simm.s32 $0x0  }
0x42: {  	s31 =	sand.u32 $0x70, s30;
	s14 =	sand.u32 $0x7C00, s30;
	[tilespmem:s15+$0x500] =	vst v0  }
0x43: {  	s14 =	sor.u32 s31, s14;
	v0 =	vld [tilespmem:$0x180]  }
0x44: {  	v1 =	vld [tilespmem:s14+$0x580];
	_ =	sdelay $0x4  }
0x45: {  	s16 =	simm.s32 $0x10;
	s15 =	simm.s32 $0x80;
	v1 =	vadd.f32 v1, v0  }
0x46: {  	s17 =	sand.u32 $0x70, s16;
	s16 =	simm.s32 $0x20;
	s18 =	sand.u32 $0x7C00, s15  }
.LBB2_9:
0x47: {  	p0 =	sne.s32 s16, $0xFF0;
	[tilespmem:s14+$0x580] =	vst v1;
	s14 =	sor.u32 s17, s18  }
0x48: {  	v1 =	vld [tilespmem:s14+$0x580];
	_ =	sdelay $0x1  }
.Ltmp3:
0x49: {  	(pc) =	sbr.rel @p0 .LBB2_9-.Ltmp3, $3  }
0x4a: {  	_ =	sdelay $0x1  }
0x4b: {  	s15 =	sadd.s32 $0x80, s15;
	v1 =	vadd.f32 v1, v0  }
0x4c: {  	s17 =	sand.u32 $0x70, s16;
	s16 =	sadd.s32 $0x10, s16;
	s18 =	sand.u32 $0x7C00, s15  }
0x4d: {  	s15 =	sor.u32 s17, s18;
	[tilespmem:s14+$0x580] =	vst v1  }
0x4e: {  	v1 =	vld [tilespmem:s15+$0x580];
	_ =	sdelay $0x4  }
0x4f: {  	v0 =	vadd.f32 v1, v0  }
0x50: {  	s30 =	simm.s32 $0x0  }
0x51: {  	s31 =	sand.u32 $0x70, s30;
	s14 =	sand.u32 $0x7C00, s30;
	[tilespmem:s15+$0x580] =	vst v0  }
0x52: {  	s14 =	sor.u32 s31, s14;
	v0 =	vld [tilespmem:$0x200]  }
0x53: {  	v1 =	vld [tilespmem:s14+$0x600];
	_ =	sdelay $0x4  }
0x54: {  	s16 =	simm.s32 $0x10;
	s15 =	simm.s32 $0x80;
	v1 =	vadd.f32 v1, v0  }
0x55: {  	s17 =	sand.u32 $0x70, s16;
	s16 =	simm.s32 $0x20;
	s18 =	sand.u32 $0x7C00, s15  }
.LBB2_11:
0x56: {  	p0 =	sne.s32 s16, $0xFF0;
	[tilespmem:s14+$0x600] =	vst v1;
	s14 =	sor.u32 s17, s18  }
0x57: {  	v1 =	vld [tilespmem:s14+$0x600];
	_ =	sdelay $0x1  }
.Ltmp4:
0x58: {  	(pc) =	sbr.rel @p0 .LBB2_11-.Ltmp4, $3  }
0x59: {  	_ =	sdelay $0x1  }
0x5a: {  	s15 =	sadd.s32 $0x80, s15;
	v1 =	vadd.f32 v1, v0  }
0x5b: {  	s17 =	sand.u32 $0x70, s16;
	s16 =	sadd.s32 $0x10, s16;
	s18 =	sand.u32 $0x7C00, s15  }
0x5c: {  	s15 =	sor.u32 s17, s18;
	[tilespmem:s14+$0x600] =	vst v1  }
0x5d: {  	v1 =	vld [tilespmem:s15+$0x600];
	_ =	sdelay $0x4  }
0x5e: {  	v0 =	vadd.f32 v1, v0  }
0x5f: {  	s30 =	simm.s32 $0x0  }
0x60: {  	s31 =	sand.u32 $0x70, s30;
	s14 =	sand.u32 $0x7C00, s30;
	[tilespmem:s15+$0x600] =	vst v0  }
0x61: {  	s14 =	sor.u32 s31, s14;
	v0 =	vld [tilespmem:$0x280]  }
0x62: {  	v1 =	vld [tilespmem:s14+$0x680];
	_ =	sdelay $0x4  }
0x63: {  	s16 =	simm.s32 $0x10;
	s15 =	simm.s32 $0x80;
	v1 =	vadd.f32 v1, v0  }
0x64: {  	s17 =	sand.u32 $0x70, s16;
	s16 =	simm.s32 $0x20;
	s18 =	sand.u32 $0x7C00, s15  }
.LBB2_13:
0x65: {  	p0 =	sne.s32 s16, $0xFF0;
	[tilespmem:s14+$0x680] =	vst v1;
	s14 =	sor.u32 s17, s18  }
0x66: {  	v1 =	vld [tilespmem:s14+$0x680];
	_ =	sdelay $0x1  }
.Ltmp5:
0x67: {  	(pc) =	sbr.rel @p0 .LBB2_13-.Ltmp5, $3  }
0x68: {  	_ =	sdelay $0x1  }
0x69: {  	s15 =	sadd.s32 $0x80, s15;
	v1 =	vadd.f32 v1, v0  }
0x6a: {  	s17 =	sand.u32 $0x70, s16;
	s16 =	sadd.s32 $0x10, s16;
	s18 =	sand.u32 $0x7C00, s15  }
0x6b: {  	s15 =	sor.u32 s17, s18;
	[tilespmem:s14+$0x680] =	vst v1  }
0x6c: {  	v1 =	vld [tilespmem:s15+$0x680];
	_ =	sdelay $0x4  }
0x6d: {  	v0 =	vadd.f32 v1, v0  }
0x6e: {  	s30 =	simm.s32 $0x0  }
0x6f: {  	s31 =	sand.u32 $0x70, s30;
	s14 =	sand.u32 $0x7C00, s30;
	[tilespmem:s15+$0x680] =	vst v0  }
0x70: {  	s14 =	sor.u32 s31, s14;
	v0 =	vld [tilespmem:$0x300]  }
0x71: {  	v1 =	vld [tilespmem:s14+$0x700];
	_ =	sdelay $0x4  }
0x72: {  	s16 =	simm.s32 $0x10;
	s15 =	simm.s32 $0x80;
	v1 =	vadd.f32 v1, v0  }
0x73: {  	s17 =	sand.u32 $0x70, s16;
	s16 =	simm.s32 $0x20;
	s18 =	sand.u32 $0x7C00, s15  }
.LBB2_15:
0x74: {  	p0 =	sne.s32 s16, $0xFF0;
	[tilespmem:s14+$0x700] =	vst v1;
	s14 =	sor.u32 s17, s18  }
0x75: {  	v1 =	vld [tilespmem:s14+$0x700];
	_ =	sdelay $0x1  }
.Ltmp6:
0x76: {  	(pc) =	sbr.rel @p0 .LBB2_15-.Ltmp6, $3  }
0x77: {  	_ =	sdelay $0x1  }
0x78: {  	s15 =	sadd.s32 $0x80, s15;
	v1 =	vadd.f32 v1, v0  }
0x79: {  	s17 =	sand.u32 $0x70, s16;
	s16 =	sadd.s32 $0x10, s16;
	s18 =	sand.u32 $0x7C00, s15  }
0x7a: {  	s15 =	sor.u32 s17, s18;
	[tilespmem:s14+$0x700] =	vst v1  }
0x7b: {  	v1 =	vld [tilespmem:s15+$0x700];
	_ =	sdelay $0x4  }
0x7c: {  	v0 =	vadd.f32 v1, v0  }
0x7d: {  	s30 =	simm.s32 $0x0  }
0x7e: {  	s31 =	sand.u32 $0x70, s30;
	s14 =	sand.u32 $0x7C00, s30;
	[tilespmem:s15+$0x700] =	vst v0  }
0x7f: {  	s14 =	sor.u32 s31, s14;
	v0 =	vld [tilespmem:$0x380]  }
0x80: {  	v1 =	vld [tilespmem:s14+$0x780];
	_ =	sdelay $0x4  }
0x81: {  	s16 =	simm.s32 $0x10;
	s15 =	simm.s32 $0x80;
	v1 =	vadd.f32 v1, v0  }
0x82: {  	s17 =	sand.u32 $0x70, s16;
	s16 =	simm.s32 $0x20;
	s18 =	sand.u32 $0x7C00, s15  }
.LBB2_17:
0x83: {  	p0 =	sne.s32 s16, $0xFF0;
	[tilespmem:s14+$0x780] =	vst v1;
	s14 =	sor.u32 s17, s18  }
0x84: {  	v1 =	vld [tilespmem:s14+$0x780];
	_ =	sdelay $0x1  }
.Ltmp7:
0x85: {  	(pc) =	sbr.rel @p0 .LBB2_17-.Ltmp7, $3  }
0x86: {  	_ =	sdelay $0x1  }
0x87: {  	s15 =	sadd.s32 $0x80, s15;
	v1 =	vadd.f32 v1, v0  }
0x88: {  	s17 =	sand.u32 $0x70, s16;
	s16 =	sadd.s32 $0x10, s16;
	s18 =	sand.u32 $0x7C00, s15  }
0x89: {  	s15 =	sor.u32 s17, s18;
	[tilespmem:s14+$0x780] =	vst v1  }
0x8a: {  	v1 =	vld [tilespmem:s15+$0x780];
	_ =	sdelay $0x4  }
0x8b: {  	s12 =	sadd.s32 $0x1, s12;
	v0 =	vadd.f32 v1, v0  }
0x8c: {  	p0 =	sne.s32 s12, $0x32  }
.Ltmp8:
0x8d: {  	s13 =	sadd.s32 s2, s13;
	[tilespmem:s15+$0x780] =	vst v0;
	(pc) =	sbr.rel @p0 .LBB2_2-.Ltmp8, $4  }
0x8e: {  	[hbm4b:s13+s4] =	stream.linear.scatter [tilespmem:s9], [sflag:$0x1], $0x8000, $0x38;
	[tilespmem:$0x8400] =	vst v63  }
0x8f: {  	_ =	swait.ge [sflag:s10], $0x8000  }
0x90: {  	[sflag:s10] =	ssyncset.done $0x0  }
0x91: {  	[sflag:s10] =	ssyncadd.s32 $0xFFFF8000  }
0x92: {  	s11 =	sadd.s32 $0x1, s11  }
0x93: {  	p0 =	sne.s32 s11, s7  }
.Ltmp9:
0x94: {  	_ = 	snop;
	(pc) =	sbr.rel @p0 .LBB2_1-.Ltmp9, $1  }
0x95: {  	_ =	sdelay $0x3  }
0x96: {  	_ =	sfence.sel $0x180000  }
0x97: {  	[bflag:$0x0] =	sbarrier.arrive $0xFFFF  }
0x98: {  	p0 =	sne.s32 s3, $0x0;
	_ =	strace $0x90000047  }
0x99: {  	s0 =	sadd.s32 @!p0 $0x100000, s0;
	[bflag:$0x2] =	sbarrier.arrive $0xFFFF  }
0x9a: {  	[sflag:s0] =	ssyncadd.tile.s32 @!p0 $0x1;
	_ =	shalt  }
.Lfunc_end2:
_tile_overlayer_lowered:
.L_overlay_start_2:
0x9b: {  	(tag) =	ssettag $0x2  }
0x9c: {  	s0 =	rddreg [dreg:$0x0];
	s2 =	stileid.u32  }
0x9d: {  	s1 =	rddreg [dreg:$0x1];
	p0 =	sne.s32 s2, $0x0  }
0x9e: {  	s3 =	rddreg [dreg:$0x2];
	[bflag:$0x3] =	sbarrier.arrive $0xFFFF;
	s2 =	simm.s32 @!p0 $0x1C02  }
0x9f: {  	[timem:s3], [sflag:s2] =	dma.local @!p0 [hbm:s0], s1  }
0xa0: {  	s0 =	simm.s32 @!p0 $0x2  }
0xa1: {  	_ =	swait.ge @!p0 [sflag:s0], s1  }
0xa2: {  	s1 =	ssub.s32 @!p0 $0x0, s1;
	[sflag:s0] =	ssyncset.done @!p0 $0x0  }
0xa3: {  	[sflag:s0] =	ssyncadd.s32 @!p0 s1  }
0xa4: {  	[bflag:$0x3] =	sbarrier.arrive $0xFFFF  }
0xa5: {  	_ =	shalt  }

</sc_bundles>
